<compile_context>
chip_gen: v7x
topology: tpu7x:2x2x1
jax: 0.10.2.dev20260603
libtpu: 0.0.44.dev20260713+nightly
codegen_flags: <defaults>
</compile_context>

<pallas_src>
import functools
import jax
import jax.numpy as jnp
from jax import lax
from jax.experimental import pallas as pl
from jax.experimental.pallas import tpu as pltpu
from jax.experimental.pallas import tpu_sc as plsc

V = 1000
N = 3
ROWS_PER_COPY = 2


def _sc_fill_kernel(rows_per_tile, pat_hbm, out_hbm, pat_v, sem):
    wid = lax.axis_index("s") * 2 + lax.axis_index("c")
    pltpu.sync_copy(pat_hbm, pat_v)

    base = wid * rows_per_tile
    n_copies = rows_per_tile // ROWS_PER_COPY
    for c in range(n_copies):
        pltpu.make_async_copy(
            pat_v,
            out_hbm.at[pl.ds(base + c * ROWS_PER_COPY, ROWS_PER_COPY)],
            sem,
        ).start()
    for c in range(n_copies):
        pltpu.make_async_copy(
            pat_v,
            out_hbm.at[pl.ds(base + c * ROWS_PER_COPY, ROWS_PER_COPY)],
            sem,
        ).wait()


def _tc_prep_kernel(alpha_ref, batch_ref, tgt_ref, pat_ref):
    tgt_ref[...] = batch_ref[:, N - 1:]
    a0 = alpha_ref[0, 0]
    a1 = alpha_ref[0, 1]
    a2 = alpha_ref[0, 2]
    s_full = (a0 + a1 + a2) * (1.0 / V)
    s_last = (a0 + a1) * (1.0 / V)
    n_preds = pat_ref.shape[1]
    j = lax.broadcasted_iota(jnp.int32, pat_ref.shape, 1)
    pat_ref[...] = jnp.where(j < n_preds - 1, s_full, s_last)


def kernel(batch, TEXT, alpha):
    B, bptt = batch.shape
    n_preds = bptt - (N - 1) + 1
    n_tgt = n_preds - 1
    rows_per_tile = B // 32

    targets, pattern = pl.pallas_call(
        _tc_prep_kernel,
        out_shape=[
            jax.ShapeDtypeStruct((B, n_tgt), batch.dtype),
            jax.ShapeDtypeStruct((ROWS_PER_COPY, n_preds, V), jnp.float32),
        ],
    )(alpha.reshape(1, 3), batch)

    mesh = plsc.VectorSubcoreMesh(core_axis_name="c", subcore_axis_name="s")
    sc_fill = functools.partial(
        pl.kernel,
        mesh=mesh,
        out_type=jax.ShapeDtypeStruct((B, n_preds, V), jnp.float32),
        scratch_types=[
            pltpu.VMEM((ROWS_PER_COPY, n_preds, V), jnp.float32),
            pltpu.SemaphoreType.DMA,
        ],
    )(functools.partial(_sc_fill_kernel, rows_per_tile))
    outputs = sc_fill(pattern)

    return outputs, targets

# --- scband reference (transcript-rebuilt; emitter-appended) ---
"""Pipeline reference for scband-linear-interp-trigram-76630806495760 (READ-ONLY COPY).

The authoritative reference and input builder live on the scoring server;
editing this copy changes nothing except your own understanding.
"""

import jax, jax.numpy as jnp
import numpy as np

V = 1000
N = 3

def setup_inputs(seed: int = 0) -> dict:
    key = jax.random.key(seed)
    k1, k2 = jax.random.split(key)
    batch = jax.random.randint(k1, (1024, 50), 0, V)
    alpha = jnp.array([0.3, 0.5, 0.2], dtype=jnp.float32)
    return {"batch": batch, "TEXT": 0, "alpha": alpha}

def reference(batch, TEXT, alpha):
    # Faithful translation of LinearInterpTrigram.forward for a freshly constructed
    # module: all count dicts are empty, so every context lookup falls back to
    # init_counts(n, normalize=True) == uniform(1/V).
    B, bptt = batch.shape
    n_preds = bptt - (N - 1) + 1
    uniform = jnp.ones((V,), dtype=jnp.float32) / V
    outputs = jnp.zeros((B, n_preds, V), dtype=jnp.float32)
    pos = jnp.arange(n_preds)
    for n in range(N):
        # number of (context, target) pairs produced by batch_to_ngrams(trim=False)
        # zipped together: bptt for n==0, else bptt - n (targets list is shorter)
        cov = bptt if n == 0 else bptt - n
        jmax = min(cov, n_preds)
        mask = (pos < jmax).astype(jnp.float32)[None, :, None]
        outputs = outputs + alpha[n] * mask * uniform[None, None, :]
    # targets[i, j] is overwritten by each order n; the final write (n = N-1)
    # sets targets[i, j] = batch[i, j + N - 1] for j < n_preds - 1
    targets = batch[:, N - 1 : N - 1 + (n_preds - 1)]
    return outputs, targets

if __name__ == "__main__":
    import jax
    _d = setup_inputs()
    print(jax.jit(kernel)(*tuple(_d.values())))

</pallas_src>

<mosaic_0001>
#map = affine_map<(d0, d1) -> (0, 0, 0)>
module attributes {stable_mosaic.version = 14 : i64} {
  func.func @_sc_fill_kernel(%arg0: i32, %arg1: i32, %arg2: memref<2x49x1000xf32, #tpu.memory_space<hbm>>, %arg3: memref<1024x49x1000xf32, #tpu.memory_space<hbm>>, %arg4: memref<2x49x1000xf32, #tpu.memory_space<vmem>>, %arg5: memref<!tpu.dma_semaphore, #tpu.memory_space<semaphore_mem>>) attributes {dimension_semantics = [#tpu.dimension_semantics<core_parallel>, #tpu.dimension_semantics<subcore_parallel>], iteration_bounds = array<i64: 2, 16>, scalar_prefetch = 0 : i64, scratch_operands = 2 : i64, tpu.core_type = #tpu.core_type<sc_vector_subcore>, window_params = [{transform_indices = #map}, {transform_indices = #map}]} {
    %mul3A = arith.constant 2 : i32
    %mul3A_0 = arith.muli %arg1, %mul3A : i32
    %add3A = arith.addi %mul3A_0, %arg0 : i32
    "tpu.region"() ({
      %run_scoped3A = tpu.sem_alloc : memref<!tpu.dma_semaphore, #tpu.memory_space<semaphore_mem>>
      tpu.enqueue_dma source(%arg2 : memref<2x49x1000xf32, #tpu.memory_space<hbm>>) target(%arg4 : memref<2x49x1000xf32, #tpu.memory_space<vmem>>) target_semaphore(%run_scoped3A : memref<!tpu.dma_semaphore, #tpu.memory_space<semaphore_mem>>)
      tpu.wait_dma2 semaphore(%run_scoped3A : memref<!tpu.dma_semaphore, #tpu.memory_space<semaphore_mem>>) src(%arg2 : memref<2x49x1000xf32, #tpu.memory_space<hbm>>) dst(%arg4 : memref<2x49x1000xf32, #tpu.memory_space<vmem>>)
      tpu.yield
    }) : () -> ()
    %mul3A_1 = arith.constant 32 : i32
    %mul3A_2 = arith.muli %add3A, %mul3A_1 : i32
    %add3A_3 = arith.constant 0 : i32
    %add3A_4 = arith.addi %mul3A_2, %add3A_3 : i32
    %dma_start3A = arith.constant 0 : i32
    %dma_start3A_5 = arith.constant 0 : i32
    %dma_start3A_6 = tpu.memref_slice %arg3[%add3A_4, %dma_start3A, %dma_start3A_5] : memref<1024x49x1000xf32, #tpu.memory_space<hbm>> -> memref<2x49x1000xf32, #tpu.memory_space<hbm>>
    %dma_start3A_7 = arith.constant 0 : i32
    %dma_start3A_8 = arith.constant 0 : i32
    %dma_start3A_9 = tpu.memref_slice %arg3[%add3A_4, %dma_start3A_7, %dma_start3A_8] : memref<1024x49x1000xf32, #tpu.memory_space<hbm>> -> memref<2x49x1000xf32, #tpu.memory_space<hbm>>
    tpu.enqueue_dma source(%arg4 : memref<2x49x1000xf32, #tpu.memory_space<vmem>>) target(%dma_start3A_9 : memref<2x49x1000xf32, #tpu.memory_space<hbm>>) target_semaphore(%arg5 : memref<!tpu.dma_semaphore, #tpu.memory_space<semaphore_mem>>)
    %add3A_10 = arith.constant 2 : i32
    %add3A_11 = arith.addi %mul3A_2, %add3A_10 : i32
    %dma_start3A_12 = arith.constant 0 : i32
    %dma_start3A_13 = arith.constant 0 : i32
    %dma_start3A_14 = tpu.memref_slice %arg3[%add3A_11, %dma_start3A_12, %dma_start3A_13] : memref<1024x49x1000xf32, #tpu.memory_space<hbm>> -> memref<2x49x1000xf32, #tpu.memory_space<hbm>>
    %dma_start3A_15 = arith.constant 0 : i32
    %dma_start3A_16 = arith.constant 0 : i32
    %dma_start3A_17 = tpu.memref_slice %arg3[%add3A_11, %dma_start3A_15, %dma_start3A_16] : memref<1024x49x1000xf32, #tpu.memory_space<hbm>> -> memref<2x49x1000xf32, #tpu.memory_space<hbm>>
    tpu.enqueue_dma source(%arg4 : memref<2x49x1000xf32, #tpu.memory_space<vmem>>) target(%dma_start3A_17 : memref<2x49x1000xf32, #tpu.memory_space<hbm>>) target_semaphore(%arg5 : memref<!tpu.dma_semaphore, #tpu.memory_space<semaphore_mem>>)
    %add3A_18 = arith.constant 4 : i32
    %add3A_19 = arith.addi %mul3A_2, %add3A_18 : i32
    %dma_start3A_20 = arith.constant 0 : i32
    %dma_start3A_21 = arith.constant 0 : i32
    %dma_start3A_22 = tpu.memref_slice %arg3[%add3A_19, %dma_start3A_20, %dma_start3A_21] : memref<1024x49x1000xf32, #tpu.memory_space<hbm>> -> memref<2x49x1000xf32, #tpu.memory_space<hbm>>
    %dma_start3A_23 = arith.constant 0 : i32
    %dma_start3A_24 = arith.constant 0 : i32
    %dma_start3A_25 = tpu.memref_slice %arg3[%add3A_19, %dma_start3A_23, %dma_start3A_24] : memref<1024x49x1000xf32, #tpu.memory_space<hbm>> -> memref<2x49x1000xf32, #tpu.memory_space<hbm>>
    tpu.enqueue_dma source(%arg4 : memref<2x49x1000xf32, #tpu.memory_space<vmem>>) target(%dma_start3A_25 : memref<2x49x1000xf32, #tpu.memory_space<hbm>>) target_semaphore(%arg5 : memref<!tpu.dma_semaphore, #tpu.memory_space<semaphore_mem>>)
    %add3A_26 = arith.constant 6 : i32
    %add3A_27 = arith.addi %mul3A_2, %add3A_26 : i32
    %dma_start3A_28 = arith.constant 0 : i32
    %dma_start3A_29 = arith.constant 0 : i32
    %dma_start3A_30 = tpu.memref_slice %arg3[%add3A_27, %dma_start3A_28, %dma_start3A_29] : memref<1024x49x1000xf32, #tpu.memory_space<hbm>> -> memref<2x49x1000xf32, #tpu.memory_space<hbm>>
    %dma_start3A_31 = arith.constant 0 : i32
    %dma_start3A_32 = arith.constant 0 : i32
    %dma_start3A_33 = tpu.memref_slice %arg3[%add3A_27, %dma_start3A_31, %dma_start3A_32] : memref<1024x49x1000xf32, #tpu.memory_space<hbm>> -> memref<2x49x1000xf32, #tpu.memory_space<hbm>>
    tpu.enqueue_dma source(%arg4 : memref<2x49x1000xf32, #tpu.memory_space<vmem>>) target(%dma_start3A_33 : memref<2x49x1000xf32, #tpu.memory_space<hbm>>) target_semaphore(%arg5 : memref<!tpu.dma_semaphore, #tpu.memory_space<semaphore_mem>>)
    %add3A_34 = arith.constant 8 : i32
    %add3A_35 = arith.addi %mul3A_2, %add3A_34 : i32
    %dma_start3A_36 = arith.constant 0 : i32
    %dma_start3A_37 = arith.constant 0 : i32
    %dma_start3A_38 = tpu.memref_slice %arg3[%add3A_35, %dma_start3A_36, %dma_start3A_37] : memref<1024x49x1000xf32, #tpu.memory_space<hbm>> -> memref<2x49x1000xf32, #tpu.memory_space<hbm>>
    %dma_start3A_39 = arith.constant 0 : i32
    %dma_start3A_40 = arith.constant 0 : i32
    %dma_start3A_41 = tpu.memref_slice %arg3[%add3A_35, %dma_start3A_39, %dma_start3A_40] : memref<1024x49x1000xf32, #tpu.memory_space<hbm>> -> memref<2x49x1000xf32, #tpu.memory_space<hbm>>
    tpu.enqueue_dma source(%arg4 : memref<2x49x1000xf32, #tpu.memory_space<vmem>>) target(%dma_start3A_41 : memref<2x49x1000xf32, #tpu.memory_space<hbm>>) target_semaphore(%arg5 : memref<!tpu.dma_semaphore, #tpu.memory_space<semaphore_mem>>)
    %add3A_42 = arith.constant 10 : i32
    %add3A_43 = arith.addi %mul3A_2, %add3A_42 : i32
    %dma_start3A_44 = arith.constant 0 : i32
    %dma_start3A_45 = arith.constant 0 : i32
    %dma_start3A_46 = tpu.memref_slice %arg3[%add3A_43, %dma_start3A_44, %dma_start3A_45] : memref<1024x49x1000xf32, #tpu.memory_space<hbm>> -> memref<2x49x1000xf32, #tpu.memory_space<hbm>>
    %dma_start3A_47 = arith.constant 0 : i32
    %dma_start3A_48 = arith.constant 0 : i32
    %dma_start3A_49 = tpu.memref_slice %arg3[%add3A_43, %dma_start3A_47, %dma_start3A_48] : memref<1024x49x1000xf32, #tpu.memory_space<hbm>> -> memref<2x49x1000xf32, #tpu.memory_space<hbm>>
    tpu.enqueue_dma source(%arg4 : memref<2x49x1000xf32, #tpu.memory_space<vmem>>) target(%dma_start3A_49 : memref<2x49x1000xf32, #tpu.memory_space<hbm>>) target_semaphore(%arg5 : memref<!tpu.dma_semaphore, #tpu.memory_space<semaphore_mem>>)
    %add3A_50 = arith.constant 12 : i32
    %add3A_51 = arith.addi %mul3A_2, %add3A_50 : i32
    %dma_start3A_52 = arith.constant 0 : i32
    %dma_start3A_53 = arith.constant 0 : i32
    %dma_start3A_54 = tpu.memref_slice %arg3[%add3A_51, %dma_start3A_52, %dma_start3A_53] : memref<1024x49x1000xf32, #tpu.memory_space<hbm>> -> memref<2x49x1000xf32, #tpu.memory_space<hbm>>
    %dma_start3A_55 = arith.constant 0 : i32
    %dma_start3A_56 = arith.constant 0 : i32
    %dma_start3A_57 = tpu.memref_slice %arg3[%add3A_51, %dma_start3A_55, %dma_start3A_56] : memref<1024x49x1000xf32, #tpu.memory_space<hbm>> -> memref<2x49x1000xf32, #tpu.memory_space<hbm>>
    tpu.enqueue_dma source(%arg4 : memref<2x49x1000xf32, #tpu.memory_space<vmem>>) target(%dma_start3A_57 : memref<2x49x1000xf32, #tpu.memory_space<hbm>>) target_semaphore(%arg5 : memref<!tpu.dma_semaphore, #tpu.memory_space<semaphore_mem>>)
    %add3A_58 = arith.constant 14 : i32
    %add3A_59 = arith.addi %mul3A_2, %add3A_58 : i32
    %dma_start3A_60 = arith.constant 0 : i32
    %dma_start3A_61 = arith.constant 0 : i32
    %dma_start3A_62 = tpu.memref_slice %arg3[%add3A_59, %dma_start3A_60, %dma_start3A_61] : memref<1024x49x1000xf32, #tpu.memory_space<hbm>> -> memref<2x49x1000xf32, #tpu.memory_space<hbm>>
    %dma_start3A_63 = arith.constant 0 : i32
    %dma_start3A_64 = arith.constant 0 : i32
    %dma_start3A_65 = tpu.memref_slice %arg3[%add3A_59, %dma_start3A_63, %dma_start3A_64] : memref<1024x49x1000xf32, #tpu.memory_space<hbm>> -> memref<2x49x1000xf32, #tpu.memory_space<hbm>>
    tpu.enqueue_dma source(%arg4 : memref<2x49x1000xf32, #tpu.memory_space<vmem>>) target(%dma_start3A_65 : memref<2x49x1000xf32, #tpu.memory_space<hbm>>) target_semaphore(%arg5 : memref<!tpu.dma_semaphore, #tpu.memory_space<semaphore_mem>>)
    %add3A_66 = arith.constant 16 : i32
    %add3A_67 = arith.addi %mul3A_2, %add3A_66 : i32
    %dma_start3A_68 = arith.constant 0 : i32
    %dma_start3A_69 = arith.constant 0 : i32
    %dma_start3A_70 = tpu.memref_slice %arg3[%add3A_67, %dma_start3A_68, %dma_start3A_69] : memref<1024x49x1000xf32, #tpu.memory_space<hbm>> -> memref<2x49x1000xf32, #tpu.memory_space<hbm>>
    %dma_start3A_71 = arith.constant 0 : i32
    %dma_start3A_72 = arith.constant 0 : i32
    %dma_start3A_73 = tpu.memref_slice %arg3[%add3A_67, %dma_start3A_71, %dma_start3A_72] : memref<1024x49x1000xf32, #tpu.memory_space<hbm>> -> memref<2x49x1000xf32, #tpu.memory_space<hbm>>
    tpu.enqueue_dma source(%arg4 : memref<2x49x1000xf32, #tpu.memory_space<vmem>>) target(%dma_start3A_73 : memref<2x49x1000xf32, #tpu.memory_space<hbm>>) target_semaphore(%arg5 : memref<!tpu.dma_semaphore, #tpu.memory_space<semaphore_mem>>)
    %add3A_74 = arith.constant 18 : i32
    %add3A_75 = arith.addi %mul3A_2, %add3A_74 : i32
    %dma_start3A_76 = arith.constant 0 : i32
    %dma_start3A_77 = arith.constant 0 : i32
    %dma_start3A_78 = tpu.memref_slice %arg3[%add3A_75, %dma_start3A_76, %dma_start3A_77] : memref<1024x49x1000xf32, #tpu.memory_space<hbm>> -> memref<2x49x1000xf32, #tpu.memory_space<hbm>>
    %dma_start3A_79 = arith.constant 0 : i32
    %dma_start3A_80 = arith.constant 0 : i32
    %dma_start3A_81 = tpu.memref_slice %arg3[%add3A_75, %dma_start3A_79, %dma_start3A_80] : memref<1024x49x1000xf32, #tpu.memory_space<hbm>> -> memref<2x49x1000xf32, #tpu.memory_space<hbm>>
    tpu.enqueue_dma source(%arg4 : memref<2x49x1000xf32, #tpu.memory_space<vmem>>) target(%dma_start3A_81 : memref<2x49x1000xf32, #tpu.memory_space<hbm>>) target_semaphore(%arg5 : memref<!tpu.dma_semaphore, #tpu.memory_space<semaphore_mem>>)
    %add3A_82 = arith.constant 20 : i32
    %add3A_83 = arith.addi %mul3A_2, %add3A_82 : i32
    %dma_start3A_84 = arith.constant 0 : i32
    %dma_start3A_85 = arith.constant 0 : i32
    %dma_start3A_86 = tpu.memref_slice %arg3[%add3A_83, %dma_start3A_84, %dma_start3A_85] : memref<1024x49x1000xf32, #tpu.memory_space<hbm>> -> memref<2x49x1000xf32, #tpu.memory_space<hbm>>
    %dma_start3A_87 = arith.constant 0 : i32
    %dma_start3A_88 = arith.constant 0 : i32
    %dma_start3A_89 = tpu.memref_slice %arg3[%add3A_83, %dma_start3A_87, %dma_start3A_88] : memref<1024x49x1000xf32, #tpu.memory_space<hbm>> -> memref<2x49x1000xf32, #tpu.memory_space<hbm>>
    tpu.enqueue_dma source(%arg4 : memref<2x49x1000xf32, #tpu.memory_space<vmem>>) target(%dma_start3A_89 : memref<2x49x1000xf32, #tpu.memory_space<hbm>>) target_semaphore(%arg5 : memref<!tpu.dma_semaphore, #tpu.memory_space<semaphore_mem>>)
    %add3A_90 = arith.constant 22 : i32
    %add3A_91 = arith.addi %mul3A_2, %add3A_90 : i32
    %dma_start3A_92 = arith.constant 0 : i32
    %dma_start3A_93 = arith.constant 0 : i32
    %dma_start3A_94 = tpu.memref_slice %arg3[%add3A_91, %dma_start3A_92, %dma_start3A_93] : memref<1024x49x1000xf32, #tpu.memory_space<hbm>> -> memref<2x49x1000xf32, #tpu.memory_space<hbm>>
    %dma_start3A_95 = arith.constant 0 : i32
    %dma_start3A_96 = arith.constant 0 : i32
    %dma_start3A_97 = tpu.memref_slice %arg3[%add3A_91, %dma_start3A_95, %dma_start3A_96] : memref<1024x49x1000xf32, #tpu.memory_space<hbm>> -> memref<2x49x1000xf32, #tpu.memory_space<hbm>>
    tpu.enqueue_dma source(%arg4 : memref<2x49x1000xf32, #tpu.memory_space<vmem>>) target(%dma_start3A_97 : memref<2x49x1000xf32, #tpu.memory_space<hbm>>) target_semaphore(%arg5 : memref<!tpu.dma_semaphore, #tpu.memory_space<semaphore_mem>>)
    %add3A_98 = arith.constant 24 : i32
    %add3A_99 = arith.addi %mul3A_2, %add3A_98 : i32
    %dma_start3A_100 = arith.constant 0 : i32
    %dma_start3A_101 = arith.constant 0 : i32
    %dma_start3A_102 = tpu.memref_slice %arg3[%add3A_99, %dma_start3A_100, %dma_start3A_101] : memref<1024x49x1000xf32, #tpu.memory_space<hbm>> -> memref<2x49x1000xf32, #tpu.memory_space<hbm>>
    %dma_start3A_103 = arith.constant 0 : i32
    %dma_start3A_104 = arith.constant 0 : i32
    %dma_start3A_105 = tpu.memref_slice %arg3[%add3A_99, %dma_start3A_103, %dma_start3A_104] : memref<1024x49x1000xf32, #tpu.memory_space<hbm>> -> memref<2x49x1000xf32, #tpu.memory_space<hbm>>
    tpu.enqueue_dma source(%arg4 : memref<2x49x1000xf32, #tpu.memory_space<vmem>>) target(%dma_start3A_105 : memref<2x49x1000xf32, #tpu.memory_space<hbm>>) target_semaphore(%arg5 : memref<!tpu.dma_semaphore, #tpu.memory_space<semaphore_mem>>)
    %add3A_106 = arith.constant 26 : i32
    %add3A_107 = arith.addi %mul3A_2, %add3A_106 : i32
    %dma_start3A_108 = arith.constant 0 : i32
    %dma_start3A_109 = arith.constant 0 : i32
    %dma_start3A_110 = tpu.memref_slice %arg3[%add3A_107, %dma_start3A_108, %dma_start3A_109] : memref<1024x49x1000xf32, #tpu.memory_space<hbm>> -> memref<2x49x1000xf32, #tpu.memory_space<hbm>>
    %dma_start3A_111 = arith.constant 0 : i32
    %dma_start3A_112 = arith.constant 0 : i32
    %dma_start3A_113 = tpu.memref_slice %arg3[%add3A_107, %dma_start3A_111, %dma_start3A_112] : memref<1024x49x1000xf32, #tpu.memory_space<hbm>> -> memref<2x49x1000xf32, #tpu.memory_space<hbm>>
    tpu.enqueue_dma source(%arg4 : memref<2x49x1000xf32, #tpu.memory_space<vmem>>) target(%dma_start3A_113 : memref<2x49x1000xf32, #tpu.memory_space<hbm>>) target_semaphore(%arg5 : memref<!tpu.dma_semaphore, #tpu.memory_space<semaphore_mem>>)
    %add3A_114 = arith.constant 28 : i32
    %add3A_115 = arith.addi %mul3A_2, %add3A_114 : i32
    %dma_start3A_116 = arith.constant 0 : i32
    %dma_start3A_117 = arith.constant 0 : i32
    %dma_start3A_118 = tpu.memref_slice %arg3[%add3A_115, %dma_start3A_116, %dma_start3A_117] : memref<1024x49x1000xf32, #tpu.memory_space<hbm>> -> memref<2x49x1000xf32, #tpu.memory_space<hbm>>
    %dma_start3A_119 = arith.constant 0 : i32
    %dma_start3A_120 = arith.constant 0 : i32
    %dma_start3A_121 = tpu.memref_slice %arg3[%add3A_115, %dma_start3A_119, %dma_start3A_120] : memref<1024x49x1000xf32, #tpu.memory_space<hbm>> -> memref<2x49x1000xf32, #tpu.memory_space<hbm>>
    tpu.enqueue_dma source(%arg4 : memref<2x49x1000xf32, #tpu.memory_space<vmem>>) target(%dma_start3A_121 : memref<2x49x1000xf32, #tpu.memory_space<hbm>>) target_semaphore(%arg5 : memref<!tpu.dma_semaphore, #tpu.memory_space<semaphore_mem>>)
    %add3A_122 = arith.constant 30 : i32
    %add3A_123 = arith.addi %mul3A_2, %add3A_122 : i32
    %dma_start3A_124 = arith.constant 0 : i32
    %dma_start3A_125 = arith.constant 0 : i32
    %dma_start3A_126 = tpu.memref_slice %arg3[%add3A_123, %dma_start3A_124, %dma_start3A_125] : memref<1024x49x1000xf32, #tpu.memory_space<hbm>> -> memref<2x49x1000xf32, #tpu.memory_space<hbm>>
    %dma_start3A_127 = arith.constant 0 : i32
    %dma_start3A_128 = arith.constant 0 : i32
    %dma_start3A_129 = tpu.memref_slice %arg3[%add3A_123, %dma_start3A_127, %dma_start3A_128] : memref<1024x49x1000xf32, #tpu.memory_space<hbm>> -> memref<2x49x1000xf32, #tpu.memory_space<hbm>>
    tpu.enqueue_dma source(%arg4 : memref<2x49x1000xf32, #tpu.memory_space<vmem>>) target(%dma_start3A_129 : memref<2x49x1000xf32, #tpu.memory_space<hbm>>) target_semaphore(%arg5 : memref<!tpu.dma_semaphore, #tpu.memory_space<semaphore_mem>>)
    %add3A_130 = arith.constant 0 : i32
    %add3A_131 = arith.addi %mul3A_2, %add3A_130 : i32
    %dma_wait3A = arith.constant 0 : i32
    %dma_wait3A_132 = arith.constant 0 : i32
    %dma_wait3A_133 = tpu.memref_slice %arg3[%add3A_131, %dma_wait3A, %dma_wait3A_132] : memref<1024x49x1000xf32, #tpu.memory_space<hbm>> -> memref<2x49x1000xf32, #tpu.memory_space<hbm>>
    %dma_wait3A_134 = arith.constant 0 : i32
    %dma_wait3A_135 = arith.constant 0 : i32
    %dma_wait3A_136 = tpu.memref_slice %arg3[%add3A_131, %dma_wait3A_134, %dma_wait3A_135] : memref<1024x49x1000xf32, #tpu.memory_space<hbm>> -> memref<2x49x1000xf32, #tpu.memory_space<hbm>>
    tpu.wait_dma2 semaphore(%arg5 : memref<!tpu.dma_semaphore, #tpu.memory_space<semaphore_mem>>) src(%arg4 : memref<2x49x1000xf32, #tpu.memory_space<vmem>>) dst(%dma_wait3A_136 : memref<2x49x1000xf32, #tpu.memory_space<hbm>>)
    %add3A_137 = arith.constant 2 : i32
    %add3A_138 = arith.addi %mul3A_2, %add3A_137 : i32
    %dma_wait3A_139 = arith.constant 0 : i32
    %dma_wait3A_140 = arith.constant 0 : i32
    %dma_wait3A_141 = tpu.memref_slice %arg3[%add3A_138, %dma_wait3A_139, %dma_wait3A_140] : memref<1024x49x1000xf32, #tpu.memory_space<hbm>> -> memref<2x49x1000xf32, #tpu.memory_space<hbm>>
    %dma_wait3A_142 = arith.constant 0 : i32
    %dma_wait3A_143 = arith.constant 0 : i32
    %dma_wait3A_144 = tpu.memref_slice %arg3[%add3A_138, %dma_wait3A_142, %dma_wait3A_143] : memref<1024x49x1000xf32, #tpu.memory_space<hbm>> -> memref<2x49x1000xf32, #tpu.memory_space<hbm>>
    tpu.wait_dma2 semaphore(%arg5 : memref<!tpu.dma_semaphore, #tpu.memory_space<semaphore_mem>>) src(%arg4 : memref<2x49x1000xf32, #tpu.memory_space<vmem>>) dst(%dma_wait3A_144 : memref<2x49x1000xf32, #tpu.memory_space<hbm>>)
    %add3A_145 = arith.constant 4 : i32
    %add3A_146 = arith.addi %mul3A_2, %add3A_145 : i32
    %dma_wait3A_147 = arith.constant 0 : i32
    %dma_wait3A_148 = arith.constant 0 : i32
    %dma_wait3A_149 = tpu.memref_slice %arg3[%add3A_146, %dma_wait3A_147, %dma_wait3A_148] : memref<1024x49x1000xf32, #tpu.memory_space<hbm>> -> memref<2x49x1000xf32, #tpu.memory_space<hbm>>
    %dma_wait3A_150 = arith.constant 0 : i32
    %dma_wait3A_151 = arith.constant 0 : i32
    %dma_wait3A_152 = tpu.memref_slice %arg3[%add3A_146, %dma_wait3A_150, %dma_wait3A_151] : memref<1024x49x1000xf32, #tpu.memory_space<hbm>> -> memref<2x49x1000xf32, #tpu.memory_space<hbm>>
    tpu.wait_dma2 semaphore(%arg5 : memref<!tpu.dma_semaphore, #tpu.memory_space<semaphore_mem>>) src(%arg4 : memref<2x49x1000xf32, #tpu.memory_space<vmem>>) dst(%dma_wait3A_152 : memref<2x49x1000xf32, #tpu.memory_space<hbm>>)
    %add3A_153 = arith.constant 6 : i32
    %add3A_154 = arith.addi %mul3A_2, %add3A_153 : i32
    %dma_wait3A_155 = arith.constant 0 : i32
    %dma_wait3A_156 = arith.constant 0 : i32
    %dma_wait3A_157 = tpu.memref_slice %arg3[%add3A_154, %dma_wait3A_155, %dma_wait3A_156] : memref<1024x49x1000xf32, #tpu.memory_space<hbm>> -> memref<2x49x1000xf32, #tpu.memory_space<hbm>>
    %dma_wait3A_158 = arith.constant 0 : i32
    %dma_wait3A_159 = arith.constant 0 : i32
    %dma_wait3A_160 = tpu.memref_slice %arg3[%add3A_154, %dma_wait3A_158, %dma_wait3A_159] : memref<1024x49x1000xf32, #tpu.memory_space<hbm>> -> memref<2x49x1000xf32, #tpu.memory_space<hbm>>
    tpu.wait_dma2 semaphore(%arg5 : memref<!tpu.dma_semaphore, #tpu.memory_space<semaphore_mem>>) src(%arg4 : memref<2x49x1000xf32, #tpu.memory_space<vmem>>) dst(%dma_wait3A_160 : memref<2x49x1000xf32, #tpu.memory_space<hbm>>)
    %add3A_161 = arith.constant 8 : i32
    %add3A_162 = arith.addi %mul3A_2, %add3A_161 : i32
    %dma_wait3A_163 = arith.constant 0 : i32
    %dma_wait3A_164 = arith.constant 0 : i32
    %dma_wait3A_165 = tpu.memref_slice %arg3[%add3A_162, %dma_wait3A_163, %dma_wait3A_164] : memref<1024x49x1000xf32, #tpu.memory_space<hbm>> -> memref<2x49x1000xf32, #tpu.memory_space<hbm>>
    %dma_wait3A_166 = arith.constant 0 : i32
    %dma_wait3A_167 = arith.constant 0 : i32
    %dma_wait3A_168 = tpu.memref_slice %arg3[%add3A_162, %dma_wait3A_166, %dma_wait3A_167] : memref<1024x49x1000xf32, #tpu.memory_space<hbm>> -> memref<2x49x1000xf32, #tpu.memory_space<hbm>>
    tpu.wait_dma2 semaphore(%arg5 : memref<!tpu.dma_semaphore, #tpu.memory_space<semaphore_mem>>) src(%arg4 : memref<2x49x1000xf32, #tpu.memory_space<vmem>>) dst(%dma_wait3A_168 : memref<2x49x1000xf32, #tpu.memory_space<hbm>>)
    %add3A_169 = arith.constant 10 : i32
    %add3A_170 = arith.addi %mul3A_2, %add3A_169 : i32
    %dma_wait3A_171 = arith.constant 0 : i32
    %dma_wait3A_172 = arith.constant 0 : i32
    %dma_wait3A_173 = tpu.memref_slice %arg3[%add3A_170, %dma_wait3A_171, %dma_wait3A_172] : memref<1024x49x1000xf32, #tpu.memory_space<hbm>> -> memref<2x49x1000xf32, #tpu.memory_space<hbm>>
    %dma_wait3A_174 = arith.constant 0 : i32
    %dma_wait3A_175 = arith.constant 0 : i32
    %dma_wait3A_176 = tpu.memref_slice %arg3[%add3A_170, %dma_wait3A_174, %dma_wait3A_175] : memref<1024x49x1000xf32, #tpu.memory_space<hbm>> -> memref<2x49x1000xf32, #tpu.memory_space<hbm>>
    tpu.wait_dma2 semaphore(%arg5 : memref<!tpu.dma_semaphore, #tpu.memory_space<semaphore_mem>>) src(%arg4 : memref<2x49x1000xf32, #tpu.memory_space<vmem>>) dst(%dma_wait3A_176 : memref<2x49x1000xf32, #tpu.memory_space<hbm>>)
    %add3A_177 = arith.constant 12 : i32
    %add3A_178 = arith.addi %mul3A_2, %add3A_177 : i32
    %dma_wait3A_179 = arith.constant 0 : i32
    %dma_wait3A_180 = arith.constant 0 : i32
    %dma_wait3A_181 = tpu.memref_slice %arg3[%add3A_178, %dma_wait3A_179, %dma_wait3A_180] : memref<1024x49x1000xf32, #tpu.memory_space<hbm>> -> memref<2x49x1000xf32, #tpu.memory_space<hbm>>
    %dma_wait3A_182 = arith.constant 0 : i32
    %dma_wait3A_183 = arith.constant 0 : i32
    %dma_wait3A_184 = tpu.memref_slice %arg3[%add3A_178, %dma_wait3A_182, %dma_wait3A_183] : memref<1024x49x1000xf32, #tpu.memory_space<hbm>> -> memref<2x49x1000xf32, #tpu.memory_space<hbm>>
    tpu.wait_dma2 semaphore(%arg5 : memref<!tpu.dma_semaphore, #tpu.memory_space<semaphore_mem>>) src(%arg4 : memref<2x49x1000xf32, #tpu.memory_space<vmem>>) dst(%dma_wait3A_184 : memref<2x49x1000xf32, #tpu.memory_space<hbm>>)
    %add3A_185 = arith.constant 14 : i32
    %add3A_186 = arith.addi %mul3A_2, %add3A_185 : i32
    %dma_wait3A_187 = arith.constant 0 : i32
    %dma_wait3A_188 = arith.constant 0 : i32
    %dma_wait3A_189 = tpu.memref_slice %arg3[%add3A_186, %dma_wait3A_187, %dma_wait3A_188] : memref<1024x49x1000xf32, #tpu.memory_space<hbm>> -> memref<2x49x1000xf32, #tpu.memory_space<hbm>>
    %dma_wait3A_190 = arith.constant 0 : i32
    %dma_wait3A_191 = arith.constant 0 : i32
    %dma_wait3A_192 = tpu.memref_slice %arg3[%add3A_186, %dma_wait3A_190, %dma_wait3A_191] : memref<1024x49x1000xf32, #tpu.memory_space<hbm>> -> memref<2x49x1000xf32, #tpu.memory_space<hbm>>
    tpu.wait_dma2 semaphore(%arg5 : memref<!tpu.dma_semaphore, #tpu.memory_space<semaphore_mem>>) src(%arg4 : memref<2x49x1000xf32, #tpu.memory_space<vmem>>) dst(%dma_wait3A_192 : memref<2x49x1000xf32, #tpu.memory_space<hbm>>)
    %add3A_193 = arith.constant 16 : i32
    %add3A_194 = arith.addi %mul3A_2, %add3A_193 : i32
    %dma_wait3A_195 = arith.constant 0 : i32
    %dma_wait3A_196 = arith.constant 0 : i32
    %dma_wait3A_197 = tpu.memref_slice %arg3[%add3A_194, %dma_wait3A_195, %dma_wait3A_196] : memref<1024x49x1000xf32, #tpu.memory_space<hbm>> -> memref<2x49x1000xf32, #tpu.memory_space<hbm>>
    %dma_wait3A_198 = arith.constant 0 : i32
    %dma_wait3A_199 = arith.constant 0 : i32
    %dma_wait3A_200 = tpu.memref_slice %arg3[%add3A_194, %dma_wait3A_198, %dma_wait3A_199] : memref<1024x49x1000xf32, #tpu.memory_space<hbm>> -> memref<2x49x1000xf32, #tpu.memory_space<hbm>>
    tpu.wait_dma2 semaphore(%arg5 : memref<!tpu.dma_semaphore, #tpu.memory_space<semaphore_mem>>) src(%arg4 : memref<2x49x1000xf32, #tpu.memory_space<vmem>>) dst(%dma_wait3A_200 : memref<2x49x1000xf32, #tpu.memory_space<hbm>>)
    %add3A_201 = arith.constant 18 : i32
    %add3A_202 = arith.addi %mul3A_2, %add3A_201 : i32
    %dma_wait3A_203 = arith.constant 0 : i32
    %dma_wait3A_204 = arith.constant 0 : i32
    %dma_wait3A_205 = tpu.memref_slice %arg3[%add3A_202, %dma_wait3A_203, %dma_wait3A_204] : memref<1024x49x1000xf32, #tpu.memory_space<hbm>> -> memref<2x49x1000xf32, #tpu.memory_space<hbm>>
    %dma_wait3A_206 = arith.constant 0 : i32
    %dma_wait3A_207 = arith.constant 0 : i32
    %dma_wait3A_208 = tpu.memref_slice %arg3[%add3A_202, %dma_wait3A_206, %dma_wait3A_207] : memref<1024x49x1000xf32, #tpu.memory_space<hbm>> -> memref<2x49x1000xf32, #tpu.memory_space<hbm>>
    tpu.wait_dma2 semaphore(%arg5 : memref<!tpu.dma_semaphore, #tpu.memory_space<semaphore_mem>>) src(%arg4 : memref<2x49x1000xf32, #tpu.memory_space<vmem>>) dst(%dma_wait3A_208 : memref<2x49x1000xf32, #tpu.memory_space<hbm>>)
    %add3A_209 = arith.constant 20 : i32
    %add3A_210 = arith.addi %mul3A_2, %add3A_209 : i32
    %dma_wait3A_211 = arith.constant 0 : i32
    %dma_wait3A_212 = arith.constant 0 : i32
    %dma_wait3A_213 = tpu.memref_slice %arg3[%add3A_210, %dma_wait3A_211, %dma_wait3A_212] : memref<1024x49x1000xf32, #tpu.memory_space<hbm>> -> memref<2x49x1000xf32, #tpu.memory_space<hbm>>
    %dma_wait3A_214 = arith.constant 0 : i32
    %dma_wait3A_215 = arith.constant 0 : i32
    %dma_wait3A_216 = tpu.memref_slice %arg3[%add3A_210, %dma_wait3A_214, %dma_wait3A_215] : memref<1024x49x1000xf32, #tpu.memory_space<hbm>> -> memref<2x49x1000xf32, #tpu.memory_space<hbm>>
    tpu.wait_dma2 semaphore(%arg5 : memref<!tpu.dma_semaphore, #tpu.memory_space<semaphore_mem>>) src(%arg4 : memref<2x49x1000xf32, #tpu.memory_space<vmem>>) dst(%dma_wait3A_216 : memref<2x49x1000xf32, #tpu.memory_space<hbm>>)
    %add3A_217 = arith.constant 22 : i32
    %add3A_218 = arith.addi %mul3A_2, %add3A_217 : i32
    %dma_wait3A_219 = arith.constant 0 : i32
    %dma_wait3A_220 = arith.constant 0 : i32
    %dma_wait3A_221 = tpu.memref_slice %arg3[%add3A_218, %dma_wait3A_219, %dma_wait3A_220] : memref<1024x49x1000xf32, #tpu.memory_space<hbm>> -> memref<2x49x1000xf32, #tpu.memory_space<hbm>>
    %dma_wait3A_222 = arith.constant 0 : i32
    %dma_wait3A_223 = arith.constant 0 : i32
    %dma_wait3A_224 = tpu.memref_slice %arg3[%add3A_218, %dma_wait3A_222, %dma_wait3A_223] : memref<1024x49x1000xf32, #tpu.memory_space<hbm>> -> memref<2x49x1000xf32, #tpu.memory_space<hbm>>
    tpu.wait_dma2 semaphore(%arg5 : memref<!tpu.dma_semaphore, #tpu.memory_space<semaphore_mem>>) src(%arg4 : memref<2x49x1000xf32, #tpu.memory_space<vmem>>) dst(%dma_wait3A_224 : memref<2x49x1000xf32, #tpu.memory_space<hbm>>)
    %add3A_225 = arith.constant 24 : i32
    %add3A_226 = arith.addi %mul3A_2, %add3A_225 : i32
    %dma_wait3A_227 = arith.constant 0 : i32
    %dma_wait3A_228 = arith.constant 0 : i32
    %dma_wait3A_229 = tpu.memref_slice %arg3[%add3A_226, %dma_wait3A_227, %dma_wait3A_228] : memref<1024x49x1000xf32, #tpu.memory_space<hbm>> -> memref<2x49x1000xf32, #tpu.memory_space<hbm>>
    %dma_wait3A_230 = arith.constant 0 : i32
    %dma_wait3A_231 = arith.constant 0 : i32
    %dma_wait3A_232 = tpu.memref_slice %arg3[%add3A_226, %dma_wait3A_230, %dma_wait3A_231] : memref<1024x49x1000xf32, #tpu.memory_space<hbm>> -> memref<2x49x1000xf32, #tpu.memory_space<hbm>>
    tpu.wait_dma2 semaphore(%arg5 : memref<!tpu.dma_semaphore, #tpu.memory_space<semaphore_mem>>) src(%arg4 : memref<2x49x1000xf32, #tpu.memory_space<vmem>>) dst(%dma_wait3A_232 : memref<2x49x1000xf32, #tpu.memory_space<hbm>>)
    %add3A_233 = arith.constant 26 : i32
    %add3A_234 = arith.addi %mul3A_2, %add3A_233 : i32
    %dma_wait3A_235 = arith.constant 0 : i32
    %dma_wait3A_236 = arith.constant 0 : i32
    %dma_wait3A_237 = tpu.memref_slice %arg3[%add3A_234, %dma_wait3A_235, %dma_wait3A_236] : memref<1024x49x1000xf32, #tpu.memory_space<hbm>> -> memref<2x49x1000xf32, #tpu.memory_space<hbm>>
    %dma_wait3A_238 = arith.constant 0 : i32
    %dma_wait3A_239 = arith.constant 0 : i32
    %dma_wait3A_240 = tpu.memref_slice %arg3[%add3A_234, %dma_wait3A_238, %dma_wait3A_239] : memref<1024x49x1000xf32, #tpu.memory_space<hbm>> -> memref<2x49x1000xf32, #tpu.memory_space<hbm>>
    tpu.wait_dma2 semaphore(%arg5 : memref<!tpu.dma_semaphore, #tpu.memory_space<semaphore_mem>>) src(%arg4 : memref<2x49x1000xf32, #tpu.memory_space<vmem>>) dst(%dma_wait3A_240 : memref<2x49x1000xf32, #tpu.memory_space<hbm>>)
    %add3A_241 = arith.constant 28 : i32
    %add3A_242 = arith.addi %mul3A_2, %add3A_241 : i32
    %dma_wait3A_243 = arith.constant 0 : i32
    %dma_wait3A_244 = arith.constant 0 : i32
    %dma_wait3A_245 = tpu.memref_slice %arg3[%add3A_242, %dma_wait3A_243, %dma_wait3A_244] : memref<1024x49x1000xf32, #tpu.memory_space<hbm>> -> memref<2x49x1000xf32, #tpu.memory_space<hbm>>
    %dma_wait3A_246 = arith.constant 0 : i32
    %dma_wait3A_247 = arith.constant 0 : i32
    %dma_wait3A_248 = tpu.memref_slice %arg3[%add3A_242, %dma_wait3A_246, %dma_wait3A_247] : memref<1024x49x1000xf32, #tpu.memory_space<hbm>> -> memref<2x49x1000xf32, #tpu.memory_space<hbm>>
    tpu.wait_dma2 semaphore(%arg5 : memref<!tpu.dma_semaphore, #tpu.memory_space<semaphore_mem>>) src(%arg4 : memref<2x49x1000xf32, #tpu.memory_space<vmem>>) dst(%dma_wait3A_248 : memref<2x49x1000xf32, #tpu.memory_space<hbm>>)
    %add3A_249 = arith.constant 30 : i32
    %add3A_250 = arith.addi %mul3A_2, %add3A_249 : i32
    %dma_wait3A_251 = arith.constant 0 : i32
    %dma_wait3A_252 = arith.constant 0 : i32
    %dma_wait3A_253 = tpu.memref_slice %arg3[%add3A_250, %dma_wait3A_251, %dma_wait3A_252] : memref<1024x49x1000xf32, #tpu.memory_space<hbm>> -> memref<2x49x1000xf32, #tpu.memory_space<hbm>>
    %dma_wait3A_254 = arith.constant 0 : i32
    %dma_wait3A_255 = arith.constant 0 : i32
    %dma_wait3A_256 = tpu.memref_slice %arg3[%add3A_250, %dma_wait3A_254, %dma_wait3A_255] : memref<1024x49x1000xf32, #tpu.memory_space<hbm>> -> memref<2x49x1000xf32, #tpu.memory_space<hbm>>
    tpu.wait_dma2 semaphore(%arg5 : memref<!tpu.dma_semaphore, #tpu.memory_space<semaphore_mem>>) src(%arg4 : memref<2x49x1000xf32, #tpu.memory_space<vmem>>) dst(%dma_wait3A_256 : memref<2x49x1000xf32, #tpu.memory_space<hbm>>)
    return
  }
}

module attributes {stable_mosaic.version = 14 : i64} {
  func.func @_tc_prep_kernel(%arg0: memref<1x3xf32, #tpu.memory_space<vmem>>, %arg1: memref<1024x50xi32, #tpu.memory_space<vmem>>, %arg2: memref<1024x48xi32, #tpu.memory_space<vmem>>, %arg3: memref<2x49x1000xf32, #tpu.memory_space<vmem>>) attributes {dimension_semantics = [], scalar_prefetch = 0 : i64, scratch_operands = 0 : i64, tpu.core_type = #tpu.core_type<tc>} {
    %get3A = arith.constant 0 : index
    %get3A_0 = arith.constant 2 : index
    %get3A_1 = vector.load %arg1[%get3A, %get3A_0] : memref<1024x50xi32, #tpu.memory_space<vmem>>, vector<1024x48xi32>
    %swap3A = arith.constant 0 : index
    %swap3A_2 = arith.constant 0 : index
    %swap3A_3 = vector.load %arg2[%swap3A, %swap3A_2] : memref<1024x48xi32, #tpu.memory_space<vmem>>, vector<1024x48xi32>
    tpu.vector_store %arg2[%swap3A, %swap3A_2], %get3A_1 {strides = array<i32>} : memref<1024x48xi32, #tpu.memory_space<vmem>>, vector<1024x48xi32>,
    %get3A_4 = arith.constant 0 : index
    %get3A_5 = arith.constant 0 : index
    %get3A_6 = vector.load %arg0[%get3A_4, %get3A_5] : memref<1x3xf32, #tpu.memory_space<vmem>>, vector<1x1xf32>
    %get3A_7 = vector.extract %get3A_6[0, 0] : f32 from vector<1x1xf32>
    %get3A_8 = arith.constant 0 : index
    %get3A_9 = arith.constant 1 : index
    %get3A_10 = vector.load %arg0[%get3A_8, %get3A_9] : memref<1x3xf32, #tpu.memory_space<vmem>>, vector<1x1xf32>
    %get3A_11 = vector.extract %get3A_10[0, 0] : f32 from vector<1x1xf32>
    %get3A_12 = arith.constant 0 : index
    %get3A_13 = arith.constant 2 : index
    %get3A_14 = vector.load %arg0[%get3A_12, %get3A_13] : memref<1x3xf32, #tpu.memory_space<vmem>>, vector<1x1xf32>
    %get3A_15 = vector.extract %get3A_14[0, 0] : f32 from vector<1x1xf32>
    %add3A = arith.addf %get3A_7, %get3A_11 : f32
    %add3A_16 = arith.addf %add3A, %get3A_15 : f32
    %mul3A = arith.constant 1.000000e-03 : f32
    %mul3A_17 = arith.mulf %add3A_16, %mul3A : f32
    %add3A_18 = arith.addf %get3A_7, %get3A_11 : f32
    %mul3A_19 = arith.constant 1.000000e-03 : f32
    %mul3A_20 = arith.mulf %add3A_18, %mul3A_19 : f32
    %iota3A = tpu.iota {dimensions = array<i32: 1>} : vector<2x49x1000xi32>
    %lt3A = arith.constant 48 : i32
    %lt3A_21 = vector.broadcast %lt3A : i32 to vector<2x49x1000xi32>
    %lt3A_22 = arith.cmpi slt, %iota3A, %lt3A_21 : vector<2x49x1000xi32>
    %broadcast_in_dim3A = vector.broadcast %mul3A_17 : f32 to vector<2x49x1000xf32>
    %broadcast_in_dim3A_23 = vector.broadcast %mul3A_20 : f32 to vector<2x49x1000xf32>
    %select_n3A = arith.select %lt3A_22, %broadcast_in_dim3A, %broadcast_in_dim3A_23 : vector<2x49x1000xi1>, vector<2x49x1000xf32>
    %swap3A_24 = arith.constant 0 : index
    %swap3A_25 = arith.constant 0 : index
    %swap3A_26 = arith.constant 0 : index
    %swap3A_27 = vector.load %arg3[%swap3A_24, %swap3A_25, %swap3A_26] : memref<2x49x1000xf32, #tpu.memory_space<vmem>>, vector<2x49x1000xf32>
    tpu.vector_store %arg3[%swap3A_24, %swap3A_25, %swap3A_26], %select_n3A {strides = array<i32>} : memref<2x49x1000xf32, #tpu.memory_space<vmem>>, vector<2x49x1000xf32>,
    return
  }
}

</mosaic_0001>

<sc_bundles>
// kernel: kernel.4.cloned.1.call-start
scs
__scs_entry_jumppad:
0x0: {  	(pc) =	sbr.rel $0x88, $3  }
0x1: {  	(tag) =	ssettag $0x0;
	lr =	simm.s32 $0x1  }
0x2: {  	[smem:$0x3F9F] =	sst lr;
	_ =	strace $0xD0000000  }
0x3: {  	_ = 	snop  }
0x4: {  	_ = 	snop  }
0x5: {  	_ = 	snop  }
0x6: {  	_ = 	snop  }
0x7: {  	_ = 	snop  }
__scs_overlays_trampoline_lowered:
0x8: {  	[smem:$0x3FAE] =	sst s0  }
0x9: {  	[smem:$0x3FAF] =	sst s1  }
0xa: {  	[smem:$0x3FB0] =	sst s2  }
0xb: {  	[smem:$0x3FB1] =	sst s3  }
0xc: {  	[smem:$0x3FB2] =	sst s4  }
0xd: {  	[smem:$0x3FB3] =	sst s5  }
0xe: {  	[smem:$0x3FB4] =	sst s6  }
0xf: {  	[smem:$0x3FB5] =	sst s7  }
0x10: {  	[smem:$0x3FB6] =	sst s8  }
0x11: {  	[smem:$0x3FB7] =	sst s9;
	s0 =	simm.s32 @!p0 $0x0  }
0x12: {  	s1 =	sld [smem:$0x3F9D];
	s0 =	simm.s32 @p0 $0x1  }
0x13: {  	[smem:$0x3FB8] =	sst s0;
	s0 =	simm.s32 @!p1 $0x0  }
0x14: {  	s2 =	sld [smem:$0x3F9C];
	s0 =	simm.s32 @p1 $0x1  }
0x15: {  	[smem:$0x3FB9] =	sst s0;
	s0 =	simm.s32 @!p2 $0x0  }
0x16: {  	s3 =	sld [smem:$0x3FDB];
	s0 =	simm.s32 @p2 $0x1  }
0x17: {  	s4 =	simm.s32 $0x1BF5;
	[smem:$0x3FBB] =	sst s0  }
0x18: {  	s0 =	sld [smem:$0x3F9E];
	_ =	swait.ge [sflag:s4], $0x0  }
0x19: {  	s7 =	sld [smem:$0x3F9F]  }
0x1a: {  	s8 =	sadd.s32 $0xFFFFE003, lr  }
0x1b: {  	s9 =	sadd.s32 $0xFFFFFEF7, lr;
	s5 =	simm.s32 $0xFFFFFFFF;
	p2 =	slt.u32 s8, $0xFFFFF086  }
0x1c: {  	p1 =	slt.u32 s9, $0xF7A;
	s5 =	simm.s32 @!p2 $0x0  }
0x1d: {  	s5 =	simm.s32 @p1 $0x1;
	p0 =	seq.s32 s7, s2  }
0x1e: {  	s7 =	smul.u32 @!p0 $0xF7A, s2;
	p2 =	seq.s32 @!p0 s5, $0x0  }
0x1f: {  	s9 =	smul.u32 $0xF7A, s1;
	s8 =	simm.s32 @!p0 $0x1BF5;
	p2 =	por !p2, p0  }
0x20: {  	[sflag:s8] =	ssyncset.s32 @!p0 $0xFFFFF086;
	s6 =	sadd.s32 @!p0 s3, s7;
	s7 =	simm.s32 @!p0 $0x108  }
0x21: {  	s3 =	sadd.s32 s3, s9;
	s6 =	sadd.s32 @!p0 $0x88, s6;
	s7 =	simm.s32 @p2 $0x1082  }
0x22: {  	[simem:s7], [sflag:s8] =	dma.local @!p0 [hbm:s6], $0xF7A  }
0x23: {  	s9 =	sor.u32 $0xD0000000, s2;
	s6 =	simm.s32 $0x108;
	_ =	swait.ge @!p0 [sflag:s8], $0x0  }
0x24: {  	s3 =	sadd.s32 $0x88, s3;
	s6 =	simm.s32 @!p1 $0x1082;
	[sflag:s4] =	ssyncset.s32 $0xFFFFF086  }
0x25: {  	[simem:s6], [sflag:s4] =	dma.local [hbm:s3], $0xF7A  }
0x26: {  	[smem:$0x3F9F] =	sst s1;
	(tag) =	ssettag s2;
	_ =	strace s9  }
0x27: {  	s1 =	sld [smem:$0x3FAF]  }
0x28: {  	s2 =	sld [smem:$0x3FB0]  }
0x29: {  	s4 =	sld [smem:$0x3FB2]  }
0x2a: {  	p0 =	seq.s32 s5, $0x0;
	s5 =	sld [smem:$0x3FB3]  }
0x2b: {  	s6 =	sld [smem:$0x3FB4]  }
0x2c: {  	s7 =	sld [smem:$0x3FB5]  }
0x2d: {  	s3 =	simm.s32 $0x108;
	s8 =	sld [smem:$0x3FB6]  }
0x2e: {  	s3 =	simm.s32 @!p0 $0x1082;
	s9 =	sld [smem:$0x3FB7]  }
0x2f: {  	lr =	sadd.s32 s0, s3;
	s0 =	sld [smem:$0x3FAE]  }
0x30: {  	s3 =	sld [smem:$0x3FB1]  }
0x31: {  	[smem:$0x3FBA] =	sst s10  }
0x32: {  	s10 =	sld [smem:$0x3FB8];
	_ =	sdelay $0x3  }
0x33: {  	p0 =	seq.s32 s10, $0x1;
	s10 =	sld [smem:$0x3FBA];
	_ =	sdelay $0x3  }
0x34: {  	[smem:$0x3FBA] =	sst s10  }
0x35: {  	s10 =	sld [smem:$0x3FB9];
	_ =	sdelay $0x3  }
0x36: {  	p1 =	seq.s32 s10, $0x1;
	s10 =	sld [smem:$0x3FBA];
	_ =	sdelay $0x3  }
0x37: {  	[smem:$0x3FBA] =	sst s10  }
0x38: {  	s10 =	sld [smem:$0x3FBB]  }
0x39: {  	_ = 	snop;
	(pc) =	sbr.ind lr, $3  }
0x3a: {  	_ = 	snop  }
0x3b: {  	_ = 	snop  }
0x3c: {  	p2 =	seq.s32 s10, $0x1;
	s10 =	sld [smem:$0x3FBA]  }
0x3d: {  	_ =	shalt  }
0x3e: {  	_ =	shalt  }
0x3f: {  	_ =	shalt  }
0x40: {  	_ =	shalt  }
0x41: {  	_ =	shalt  }
0x42: {  	_ =	shalt  }
0x43: {  	_ =	shalt  }
0x44: {  	_ =	shalt  }
0x45: {  	_ =	shalt  }
0x46: {  	_ =	shalt  }
0x47: {  	_ =	shalt  }
0x48: {  	_ =	shalt  }
0x49: {  	_ =	shalt  }
0x4a: {  	_ =	shalt  }
0x4b: {  	_ =	shalt  }
0x4c: {  	_ =	shalt  }
0x4d: {  	_ =	shalt  }
0x4e: {  	_ =	shalt  }
0x4f: {  	_ =	shalt  }
0x50: {  	_ =	shalt  }
0x51: {  	_ =	shalt  }
0x52: {  	_ =	shalt  }
0x53: {  	_ =	shalt  }
0x54: {  	_ =	shalt  }
0x55: {  	_ =	shalt  }
0x56: {  	_ =	shalt  }
0x57: {  	_ =	shalt  }
0x58: {  	_ =	shalt  }
0x59: {  	_ =	shalt  }
0x5a: {  	_ =	shalt  }
0x5b: {  	_ =	shalt  }
0x5c: {  	_ =	shalt  }
0x5d: {  	_ =	shalt  }
0x5e: {  	_ =	shalt  }
0x5f: {  	_ =	shalt  }
0x60: {  	_ =	shalt  }
0x61: {  	_ =	shalt  }
0x62: {  	_ =	shalt  }
0x63: {  	_ =	shalt  }
0x64: {  	_ =	shalt  }
0x65: {  	_ =	shalt  }
0x66: {  	_ =	shalt  }
0x67: {  	_ =	shalt  }
0x68: {  	_ =	shalt  }
0x69: {  	_ =	shalt  }
0x6a: {  	_ =	shalt  }
0x6b: {  	_ =	shalt  }
0x6c: {  	_ =	shalt  }
0x6d: {  	_ =	shalt  }
0x6e: {  	_ =	shalt  }
0x6f: {  	_ =	shalt  }
0x70: {  	_ =	shalt  }
0x71: {  	_ =	shalt  }
0x72: {  	_ =	shalt  }
0x73: {  	_ =	shalt  }
0x74: {  	_ =	shalt  }
0x75: {  	_ =	shalt  }
0x76: {  	_ =	shalt  }
0x77: {  	_ =	shalt  }
0x78: {  	_ =	shalt  }
0x79: {  	_ =	shalt  }
0x7a: {  	_ =	shalt  }
0x7b: {  	_ =	shalt  }
0x7c: {  	_ =	shalt  }
0x7d: {  	_ =	shalt  }
0x7e: {  	_ =	shalt  }
0x7f: {  	_ =	shalt  }
0x80: {  	_ =	shalt  }
0x81: {  	_ =	shalt  }
0x82: {  	_ =	shalt  }
0x83: {  	_ =	shalt  }
0x84: {  	_ =	shalt  }
0x85: {  	_ =	shalt  }
0x86: {  	_ =	shalt  }
0x87: {  	_ =	shalt  }
.Lfunc_end0:
.L_simem_size_0:
called_computation_lowered:
.L_overlay_start_0:
0x88: {  	s2 =	sld [smem:$0x3FD9]  }
0x89: {  	s3 =	sld [smem:$0x3FFE];
	_ =	sdelay $0x1  }
0x8a: {  	s1 =	srdreg.scid  }
0x8b: {  	s0 =	sand.u32 $0x1, s1  }
0x8c: {  	s16 =	sshll.u32 s0, $0xA;
	s2 =	sadd.s32 s3, s2  }
0x8d: {  	s2 =	sadd.s32 s2, s16  }
0x8e: {  	[smem:$0x3FC6] =	sst s2  }
0x8f: {  	_ = 	snop  }
0x90: {  	(tm) =	ssettm $0x1  }
0x91: {  	s17 =	sld [smem:$0x3FFB];
	_ =	sdelay $0x3  }
0x92: {  	_ =	strace s17  }
0x93: {  	s2 =	sld [smem:$0x3FFC];
	_ =	sdelay $0x3  }
0x94: {  	_ =	strace s2  }
0x95: {  	s2 =	sld [smem:$0x3FFD];
	_ =	sdelay $0x3  }
0x96: {  	_ =	strace s2  }
0x97: {  	_ =	strace $0x8FFFFFFF  }
0x98: {  	s18 =	sld [smem:$0x3FDB];
	_ =	sdelay $0x1  }
0x99: {  	s19 =	simm.s32 $_scs_section_size  }
0x9a: {  	s4 =	simm.s32 $_size__tile_overlayer_lowered;
	s5 =	simm.s32 $_tile_overlayer_lowered  }
0x9b: {  	s22 =	simm.s32 $0x1BFF;
	s21 =	sshll.u32 s5, $0x1;
	s2 =	sadd.s32 s19, s18  }
0x9c: {  	s6 =	simm.s32 $0x0;
	s20 =	sshll.u32 s4, $0x1;
	s4 =	sadd.s32 s21, s2  }
0x9d: {  	[timem:s6], [sflag:s22] =	dma.local [hbm:s4], s20  }
0x9e: {  	_ =	swait.ge [sflag:s22], s20  }
0x9f: {  	s3 =	ssub.s32 $0x0, s20;
	[sflag:s22] =	ssyncset.done $0x0  }
0xa0: {  	[sflag:s22] =	ssyncadd.s32 s3;
	_ =	sdelay $0x1  }
0xa1: {  	s23 =	simm.s32 $0x1B8B  }
0xa2: {  	_ =	swait.ge [sflag:s23], $0x1  }
0xa3: {  	[sflag:s23] =	ssyncset.done $0x0  }
0xa4: {  	s25 =	simm.s32 $0x1B8E;
	s24 =	sld [smem:$0x3FFE];
	[sflag:s23] =	ssyncadd.s32 $0xFFFFFFFF  }
0xa5: {  	s26 =	simm.s32 $execute0_lowered;
	[smem:$0x3FD2] =	sst s25  }
0xa6: {  	s4 =	sshll.u32 s26, $0x1;
	_ =	strace $0x80000046;
	[dreg:$0x1] =	wrdreg $0xFFFFFFFF  }
0xa7: {  	s28 =	simm.s32 $_size_execute0_lowered;
	s2 =	sadd.s32 s2, s4;
	[dreg:$0x0] =	wrdreg $0x0  }
0xa8: {  	s4 =	sshll.u32 s28, $0x1;
	[dreg:$0x2] =	wrdreg s2  }
0xa9: {  	[dreg:$0x3] =	wrdreg s4  }
0xaa: {  	[dreg:$0x4] =	wrdreg $0xC0  }
0xab: {  	_ =	task [dreg:s6], $0x5FFFF  }
0xac: {  	[dreg:$0x1] =	wrdreg $0xFFFFFFFF  }
0xad: {  	[dreg:$0x0] =	wrdreg $0x60  }
0xae: {  	[dreg:$0x2] =	wrdreg s24  }
0xaf: {  	[dreg:$0x3] =	wrdreg $0x9  }
0xb0: {  	_ =	task.clear_ibuf [dreg:s6], $0x4FFFF;
	_ =	strace $0x90000046  }
0xb1: {  	s29 =	simm.s32 $0x9;
	_ =	strace $0x80000048  }
0xb2: {  	_ =	swait.ge [sflag:s29], $0x1  }
0xb3: {  	[sflag:s29] =	ssyncadd.s32 $0xFFFFFFFF  }
0xb4: {  	_ =	strace $0x90000048  }
0xb5: {  	_ =	sfence  }
0xb6: {  	s30 =	sld [smem:$0x0];
	_ =	sdelay $0x2  }
0xb7: {  	s31 =	sshll.u32 s1, $0xD;
	s1 =	sshrl.u32 s1, $0x2  }
0xb8: {  	s3 =	sand.u32 $0x4000, s31;
	s1 =	sadd.s32 s1, s30  }
0xb9: {  	s0 =	sor.u32 s3, s0;
	s1 =	sshll.u32 s1, $0x11  }
0xba: {  	s0 =	sor.u32 s1, s0  }
0xbb: {  	s0 =	sadd.s32 $0x8F2B, s0  }
0xbc: {  	[sflag:s0] =	ssyncadd.remote.s32 $0x1  }
0xbd: {  	_ =	sfence.sel $0xFFFF  }
0xbe: {  	[dreg:$0x0] =	wrdreg $0xFFFFFFFF;
	(pc) =	sbr.abs _section_cstart, $3  }
0xbf: {  	[dreg:$0x1] =	wrdreg $0xFFFFFFFF  }
0xc0: {  	_ =	task.clear_ibuf [dreg:s6], $0x2FFFF;
	_ =	strace $0x9FFFFFFF  }
0xc1: {  	(tm) =	ssettm $0x7FFFFFFF  }
tec
execute0_lowered:
.L_overlay_start_1:
0x0: {  	(tag) =	ssettag $0x1  }
0x1: {  	s5 =	rddreg [dreg:$0x0]  }
0x2: {  	s0 =	rddreg [dreg:$0x1];
	s2 =	simm.s32 $0x0;
	s3 =	srdreg.scid  }
0x3: {  	s1 =	stileid.u32;
	[smem:$0x7FF] =	sst s2;
	s22 =	sand.u32 $0x1, s3  }
0x4: {  	s4 =	sshll.u32 s1, $0x6;
	s3 =	sadd.s32 $0xC00, s5;
	s6 =	sshll.u32 s22, $0x5  }
0x5: {  	_ =	strace $0x80000047;
	s6 =	sor.u32 s6, s4;
	s4 =	simm.s32 $0x2  }
0x6: {  	[tilespmem:s2], [sflag:$0x2] =	stream.linear.gather [hbm4b:s3+s2], $0x1C000, $0x38;
	[tilespmem:$0x1C000] =	vst v63  }
0x7: {  	s7 =	smul.u32 $0x1C00, s6;
	_ =	swait.ge [sflag:s4], $0x1C000  }
0x8: {  	s8 =	sadd.s32 $0x4400, s5;
	[sflag:s4] =	ssyncset.done $0x0  }
0x9: {  	s31 =	smul.u32 $0xE000, s6;
	s5 =	sadd.s32 s8, s7;
	[sflag:s4] =	ssyncadd.s32 $0xFFFE4000  }
0xa: {  	[hbm4b:s5+s2] =	stream.linear.scatter [tilespmem:s2], [sflag:$0x1], $0x1C000, $0x38;
	[tilespmem:$0x1C000] =	vst v63  }
0xb: {  	s9 =	sshrl.u32 s31, $0x3;
	s6 =	sadd.s32 $0x3800, s5  }
0xc: {  	[hbm4b:s6+s2] =	stream.linear.scatter [tilespmem:s2], [sflag:$0x1], $0x1C000, $0x38;
	[tilespmem:$0x1C000] =	vst v63  }
0xd: {  	s7 =	sadd.s32 $0x7000, s5;
	s20 =	sadd.s32 s8, s9  }
0xe: {  	[hbm4b:s7+s2] =	stream.linear.scatter [tilespmem:s2], [sflag:$0x1], $0x1C000, $0x38;
	[tilespmem:$0x1C000] =	vst v63  }
0xf: {  	s8 =	sadd.s32 $0xA800, s20  }
0x10: {  	[hbm4b:s8+s2] =	stream.linear.scatter [tilespmem:s2], [sflag:$0x1], $0x1C000, $0x38;
	[tilespmem:$0x1C000] =	vst v63  }
0x11: {  	s9 =	sadd.s32 $0xE000, s20  }
0x12: {  	[hbm4b:s9+s2] =	stream.linear.scatter [tilespmem:s2], [sflag:$0x1], $0x1C000, $0x38;
	[tilespmem:$0x1C000] =	vst v63  }
0x13: {  	s10 =	sadd.s32 $0x11800, s20  }
0x14: {  	[hbm4b:s10+s2] =	stream.linear.scatter [tilespmem:s2], [sflag:$0x1], $0x1C000, $0x38;
	[tilespmem:$0x1C000] =	vst v63  }
0x15: {  	s11 =	sadd.s32 $0x15000, s20  }
0x16: {  	[hbm4b:s11+s2] =	stream.linear.scatter [tilespmem:s2], [sflag:$0x1], $0x1C000, $0x38;
	[tilespmem:$0x1C000] =	vst v63  }
0x17: {  	s12 =	sadd.s32 $0x18800, s20  }
0x18: {  	[hbm4b:s12+s2] =	stream.linear.scatter [tilespmem:s2], [sflag:$0x1], $0x1C000, $0x38;
	[tilespmem:$0x1C000] =	vst v63  }
0x19: {  	s13 =	sadd.s32 $0x1C000, s20  }
0x1a: {  	[hbm4b:s13+s2] =	stream.linear.scatter [tilespmem:s2], [sflag:$0x1], $0x1C000, $0x38;
	[tilespmem:$0x1C000] =	vst v63  }
0x1b: {  	s14 =	sadd.s32 $0x1F800, s20  }
0x1c: {  	[hbm4b:s14+s2] =	stream.linear.scatter [tilespmem:s2], [sflag:$0x1], $0x1C000, $0x38;
	[tilespmem:$0x1C000] =	vst v63  }
0x1d: {  	s15 =	sadd.s32 $0x23000, s20  }
0x1e: {  	[hbm4b:s15+s2] =	stream.linear.scatter [tilespmem:s2], [sflag:$0x1], $0x1C000, $0x38;
	[tilespmem:$0x1C000] =	vst v63  }
0x1f: {  	s16 =	sadd.s32 $0x26800, s20  }
0x20: {  	[hbm4b:s16+s2] =	stream.linear.scatter [tilespmem:s2], [sflag:$0x1], $0x1C000, $0x38;
	[tilespmem:$0x1C000] =	vst v63  }
0x21: {  	s17 =	sadd.s32 $0x2A000, s20  }
0x22: {  	[hbm4b:s17+s2] =	stream.linear.scatter [tilespmem:s2], [sflag:$0x1], $0x1C000, $0x38;
	[tilespmem:$0x1C000] =	vst v63  }
0x23: {  	s18 =	sadd.s32 $0x2D800, s20  }
0x24: {  	[hbm4b:s18+s2] =	stream.linear.scatter [tilespmem:s2], [sflag:$0x1], $0x1C000, $0x38;
	[tilespmem:$0x1C000] =	vst v63  }
0x25: {  	s19 =	sadd.s32 $0x31000, s20  }
0x26: {  	[hbm4b:s19+s2] =	stream.linear.scatter [tilespmem:s2], [sflag:$0x1], $0x1C000, $0x38;
	[tilespmem:$0x1C000] =	vst v63  }
0x27: {  	s21 =	sadd.s32 $0x34800, s20;
	s20 =	simm.s32 $0x1  }
0x28: {  	[hbm4b:s21+s2] =	stream.linear.scatter [tilespmem:s2], [sflag:$0x1], $0x1C000, $0x38;
	[tilespmem:$0x1C000] =	vst v63  }
0x29: {  	_ =	swait.ge [sflag:s20], $0x1C000  }
0x2a: {  	[sflag:s20] =	ssyncset.done $0x0  }
0x2b: {  	[sflag:s20] =	ssyncadd.s32 $0xFFFE4000  }
0x2c: {  	_ =	swait.ge [sflag:s20], $0x1C000  }
0x2d: {  	[sflag:s20] =	ssyncset.done $0x0  }
0x2e: {  	[sflag:s20] =	ssyncadd.s32 $0xFFFE4000  }
0x2f: {  	_ =	swait.ge [sflag:s20], $0x1C000  }
0x30: {  	[sflag:s20] =	ssyncset.done $0x0  }
0x31: {  	[sflag:s20] =	ssyncadd.s32 $0xFFFE4000  }
0x32: {  	_ =	swait.ge [sflag:s20], $0x1C000  }
0x33: {  	[sflag:s20] =	ssyncset.done $0x0  }
0x34: {  	[sflag:s20] =	ssyncadd.s32 $0xFFFE4000  }
0x35: {  	_ =	swait.ge [sflag:s20], $0x1C000  }
0x36: {  	[sflag:s20] =	ssyncset.done $0x0  }
0x37: {  	[sflag:s20] =	ssyncadd.s32 $0xFFFE4000  }
0x38: {  	_ =	swait.ge [sflag:s20], $0x1C000  }
0x39: {  	[sflag:s20] =	ssyncset.done $0x0  }
0x3a: {  	[sflag:s20] =	ssyncadd.s32 $0xFFFE4000  }
0x3b: {  	_ =	swait.ge [sflag:s20], $0x1C000  }
0x3c: {  	[sflag:s20] =	ssyncset.done $0x0  }
0x3d: {  	[sflag:s20] =	ssyncadd.s32 $0xFFFE4000  }
0x3e: {  	_ =	swait.ge [sflag:s20], $0x1C000  }
0x3f: {  	[sflag:s20] =	ssyncset.done $0x0  }
0x40: {  	[sflag:s20] =	ssyncadd.s32 $0xFFFE4000  }
0x41: {  	_ =	swait.ge [sflag:s20], $0x1C000  }
0x42: {  	[sflag:s20] =	ssyncset.done $0x0  }
0x43: {  	[sflag:s20] =	ssyncadd.s32 $0xFFFE4000  }
0x44: {  	_ =	swait.ge [sflag:s20], $0x1C000  }
0x45: {  	[sflag:s20] =	ssyncset.done $0x0  }
0x46: {  	[sflag:s20] =	ssyncadd.s32 $0xFFFE4000  }
0x47: {  	_ =	swait.ge [sflag:s20], $0x1C000  }
0x48: {  	[sflag:s20] =	ssyncset.done $0x0  }
0x49: {  	[sflag:s20] =	ssyncadd.s32 $0xFFFE4000  }
0x4a: {  	_ =	swait.ge [sflag:s20], $0x1C000  }
0x4b: {  	[sflag:s20] =	ssyncset.done $0x0  }
0x4c: {  	[sflag:s20] =	ssyncadd.s32 $0xFFFE4000  }
0x4d: {  	_ =	swait.ge [sflag:s20], $0x1C000  }
0x4e: {  	s22 =	ssub.s32 $0x2, s22;
	[sflag:s20] =	ssyncset.done $0x0  }
0x4f: {  	s23 =	sshrl.u32 s22, $0x1;
	[sflag:s20] =	ssyncadd.s32 $0xFFFE4000  }
0x50: {  	s22 =	ssub.s32 s22, s23;
	_ =	swait.ge [sflag:s20], $0x1C000  }
0x51: {  	s22 =	smax.u32 s22, $0x1;
	[sflag:s20] =	ssyncset.done $0x0  }
0x52: {  	p0 =	sne.s32 s22, $0x1;
	[sflag:s20] =	ssyncadd.s32 $0xFFFE4000  }
.Ltmp0:
0x53: {  	_ =	swait.ge [sflag:s20], $0x1C000;
	(pc) =	sbr.rel @!p0 .LBB2_2-.Ltmp0, $4  }
0x54: {  	[sflag:s20] =	ssyncset.done $0x0  }
0x55: {  	[sflag:s20] =	ssyncadd.s32 $0xFFFE4000  }
0x56: {  	_ =	swait.ge [sflag:s20], $0x1C000  }
0x57: {  	s22 =	sadd.s32 $0xFFFFFFFF, s22;
	[sflag:s20] =	ssyncset.done $0x0  }
.LBB2_1:
0x58: {  	p0 =	sne.s32 s22, $0x1;
	s22 =	sadd.s32 $0xFFFFFFFF, s22;
	[sflag:s20] =	ssyncadd.s32 $0xFFFE4000  }
0x59: {  	[tilespmem:s2], [sflag:$0x2] =	stream.linear.gather [hbm4b:s3+s2], $0x1C000, $0x38;
	[tilespmem:$0x1C000] =	vst v63  }
0x5a: {  	_ =	swait.ge [sflag:s4], $0x1C000  }
0x5b: {  	[sflag:s4] =	ssyncset.done $0x0  }
0x5c: {  	[sflag:s4] =	ssyncadd.s32 $0xFFFE4000  }
0x5d: {  	[hbm4b:s5+s2] =	stream.linear.scatter [tilespmem:s2], [sflag:$0x1], $0x1C000, $0x38;
	[tilespmem:$0x1C000] =	vst v63  }
0x5e: {  	_ = 	snop  }
0x5f: {  	[hbm4b:s6+s2] =	stream.linear.scatter [tilespmem:s2], [sflag:$0x1], $0x1C000, $0x38;
	[tilespmem:$0x1C000] =	vst v63  }
0x60: {  	_ = 	snop  }
0x61: {  	[hbm4b:s7+s2] =	stream.linear.scatter [tilespmem:s2], [sflag:$0x1], $0x1C000, $0x38;
	[tilespmem:$0x1C000] =	vst v63  }
0x62: {  	_ = 	snop  }
0x63: {  	[hbm4b:s8+s2] =	stream.linear.scatter [tilespmem:s2], [sflag:$0x1], $0x1C000, $0x38;
	[tilespmem:$0x1C000] =	vst v63  }
0x64: {  	_ = 	snop  }
0x65: {  	[hbm4b:s9+s2] =	stream.linear.scatter [tilespmem:s2], [sflag:$0x1], $0x1C000, $0x38;
	[tilespmem:$0x1C000] =	vst v63  }
0x66: {  	_ = 	snop  }
0x67: {  	[hbm4b:s10+s2] =	stream.linear.scatter [tilespmem:s2], [sflag:$0x1], $0x1C000, $0x38;
	[tilespmem:$0x1C000] =	vst v63  }
0x68: {  	_ = 	snop  }
0x69: {  	[hbm4b:s11+s2] =	stream.linear.scatter [tilespmem:s2], [sflag:$0x1], $0x1C000, $0x38;
	[tilespmem:$0x1C000] =	vst v63  }
0x6a: {  	_ = 	snop  }
0x6b: {  	[hbm4b:s12+s2] =	stream.linear.scatter [tilespmem:s2], [sflag:$0x1], $0x1C000, $0x38;
	[tilespmem:$0x1C000] =	vst v63  }
0x6c: {  	_ = 	snop  }
0x6d: {  	[hbm4b:s13+s2] =	stream.linear.scatter [tilespmem:s2], [sflag:$0x1], $0x1C000, $0x38;
	[tilespmem:$0x1C000] =	vst v63  }
0x6e: {  	_ = 	snop  }
0x6f: {  	[hbm4b:s14+s2] =	stream.linear.scatter [tilespmem:s2], [sflag:$0x1], $0x1C000, $0x38;
	[tilespmem:$0x1C000] =	vst v63  }
0x70: {  	_ = 	snop  }
0x71: {  	[hbm4b:s15+s2] =	stream.linear.scatter [tilespmem:s2], [sflag:$0x1], $0x1C000, $0x38;
	[tilespmem:$0x1C000] =	vst v63  }
0x72: {  	_ = 	snop  }
0x73: {  	[hbm4b:s16+s2] =	stream.linear.scatter [tilespmem:s2], [sflag:$0x1], $0x1C000, $0x38;
	[tilespmem:$0x1C000] =	vst v63  }
0x74: {  	_ = 	snop  }
0x75: {  	[hbm4b:s17+s2] =	stream.linear.scatter [tilespmem:s2], [sflag:$0x1], $0x1C000, $0x38;
	[tilespmem:$0x1C000] =	vst v63  }
0x76: {  	_ = 	snop  }
0x77: {  	[hbm4b:s18+s2] =	stream.linear.scatter [tilespmem:s2], [sflag:$0x1], $0x1C000, $0x38;
	[tilespmem:$0x1C000] =	vst v63  }
0x78: {  	_ = 	snop  }
0x79: {  	[hbm4b:s19+s2] =	stream.linear.scatter [tilespmem:s2], [sflag:$0x1], $0x1C000, $0x38;
	[tilespmem:$0x1C000] =	vst v63  }
0x7a: {  	_ = 	snop  }
0x7b: {  	[hbm4b:s21+s2] =	stream.linear.scatter [tilespmem:s2], [sflag:$0x1], $0x1C000, $0x38;
	[tilespmem:$0x1C000] =	vst v63  }
0x7c: {  	_ =	swait.ge [sflag:s20], $0x1C000  }
0x7d: {  	[sflag:s20] =	ssyncset.done $0x0  }
0x7e: {  	[sflag:s20] =	ssyncadd.s32 $0xFFFE4000  }
0x7f: {  	_ =	swait.ge [sflag:s20], $0x1C000  }
0x80: {  	[sflag:s20] =	ssyncset.done $0x0  }
0x81: {  	[sflag:s20] =	ssyncadd.s32 $0xFFFE4000  }
0x82: {  	_ =	swait.ge [sflag:s20], $0x1C000  }
0x83: {  	[sflag:s20] =	ssyncset.done $0x0  }
0x84: {  	[sflag:s20] =	ssyncadd.s32 $0xFFFE4000  }
0x85: {  	_ =	swait.ge [sflag:s20], $0x1C000  }
0x86: {  	[sflag:s20] =	ssyncset.done $0x0  }
0x87: {  	[sflag:s20] =	ssyncadd.s32 $0xFFFE4000  }
0x88: {  	_ =	swait.ge [sflag:s20], $0x1C000  }
0x89: {  	[sflag:s20] =	ssyncset.done $0x0  }
0x8a: {  	[sflag:s20] =	ssyncadd.s32 $0xFFFE4000  }
0x8b: {  	_ =	swait.ge [sflag:s20], $0x1C000  }
0x8c: {  	[sflag:s20] =	ssyncset.done $0x0  }
0x8d: {  	[sflag:s20] =	ssyncadd.s32 $0xFFFE4000  }
0x8e: {  	_ =	swait.ge [sflag:s20], $0x1C000  }
0x8f: {  	[sflag:s20] =	ssyncset.done $0x0  }
0x90: {  	[sflag:s20] =	ssyncadd.s32 $0xFFFE4000  }
0x91: {  	_ =	swait.ge [sflag:s20], $0x1C000  }
0x92: {  	[sflag:s20] =	ssyncset.done $0x0  }
0x93: {  	[sflag:s20] =	ssyncadd.s32 $0xFFFE4000  }
0x94: {  	_ =	swait.ge [sflag:s20], $0x1C000  }
0x95: {  	[sflag:s20] =	ssyncset.done $0x0  }
0x96: {  	[sflag:s20] =	ssyncadd.s32 $0xFFFE4000  }
0x97: {  	_ =	swait.ge [sflag:s20], $0x1C000  }
0x98: {  	[sflag:s20] =	ssyncset.done $0x0  }
0x99: {  	[sflag:s20] =	ssyncadd.s32 $0xFFFE4000  }
0x9a: {  	_ =	swait.ge [sflag:s20], $0x1C000  }
0x9b: {  	[sflag:s20] =	ssyncset.done $0x0  }
0x9c: {  	[sflag:s20] =	ssyncadd.s32 $0xFFFE4000  }
0x9d: {  	_ =	swait.ge [sflag:s20], $0x1C000  }
0x9e: {  	[sflag:s20] =	ssyncset.done $0x0  }
0x9f: {  	[sflag:s20] =	ssyncadd.s32 $0xFFFE4000  }
0xa0: {  	_ =	swait.ge [sflag:s20], $0x1C000  }
0xa1: {  	[sflag:s20] =	ssyncset.done $0x0  }
0xa2: {  	[sflag:s20] =	ssyncadd.s32 $0xFFFE4000  }
0xa3: {  	_ =	swait.ge [sflag:s20], $0x1C000  }
0xa4: {  	[sflag:s20] =	ssyncset.done $0x0  }
0xa5: {  	[sflag:s20] =	ssyncadd.s32 $0xFFFE4000  }
.Ltmp1:
0xa6: {  	_ =	swait.ge [sflag:s20], $0x1C000;
	(pc) =	sbr.rel @p0 .LBB2_1-.Ltmp1, $4  }
0xa7: {  	[sflag:s20] =	ssyncset.done $0x0  }
0xa8: {  	[sflag:s20] =	ssyncadd.s32 $0xFFFE4000  }
0xa9: {  	_ =	swait.ge [sflag:s20], $0x1C000  }
0xaa: {  	[sflag:s20] =	ssyncset.done $0x0  }
.LBB2_2:
0xab: {  	[sflag:s20] =	ssyncadd.s32 $0xFFFE4000  }
0xac: {  	_ =	sfence.sel $0x180000  }
0xad: {  	[bflag:$0x0] =	sbarrier.arrive $0xFFFF  }
0xae: {  	p0 =	sne.s32 s1, $0x0;
	_ =	strace $0x90000047  }
0xaf: {  	s0 =	sadd.s32 @!p0 $0x100000, s0;
	[bflag:$0x2] =	sbarrier.arrive $0xFFFF  }
0xb0: {  	[sflag:s0] =	ssyncadd.tile.s32 @!p0 $0x1;
	_ =	shalt  }
.Lfunc_end2:
_tile_overlayer_lowered:
.L_overlay_start_2:
0xb1: {  	(tag) =	ssettag $0x2  }
0xb2: {  	s0 =	rddreg [dreg:$0x0];
	s2 =	stileid.u32  }
0xb3: {  	s1 =	rddreg [dreg:$0x1];
	p0 =	sne.s32 s2, $0x0  }
0xb4: {  	s3 =	rddreg [dreg:$0x2];
	[bflag:$0x3] =	sbarrier.arrive $0xFFFF;
	s2 =	simm.s32 @!p0 $0x1C02  }
0xb5: {  	[timem:s3], [sflag:s2] =	dma.local @!p0 [hbm:s0], s1  }
0xb6: {  	s0 =	simm.s32 @!p0 $0x2  }
0xb7: {  	_ =	swait.ge @!p0 [sflag:s0], s1  }
0xb8: {  	s1 =	ssub.s32 @!p0 $0x0, s1;
	[sflag:s0] =	ssyncset.done @!p0 $0x0  }
0xb9: {  	[sflag:s0] =	ssyncadd.s32 @!p0 s1  }
0xba: {  	[bflag:$0x3] =	sbarrier.arrive $0xFFFF  }
0xbb: {  	_ =	shalt  }

</sc_bundles>
